<compile_context>
chip_gen: v7x
topology: tpu7x:2x2x1
jax: 0.10.2.dev20260603
libtpu: 0.0.44.dev20260713+nightly
codegen_flags: <defaults>
</compile_context>

<pallas_src>
import functools
import jax
import jax.numpy as jnp
from jax import lax
from jax.experimental import pallas as pl
from jax.experimental.pallas import tpu as pltpu
from jax.experimental.pallas import tpu_sc as plsc

B = 4096
D0N, D1N = 10, 20
W1, W2, W3 = 32, 16, 64
H0W = D0N + W1 + W2
H1W = D1N + W3

_info = plsc.get_sparse_core_info()
_NC, _NS = _info.num_cores, _info.num_subcores
NW = _NC * _NS
BPW = B // NW
L = 16


@functools.partial(
    pl.kernel,
    mesh=plsc.VectorSubcoreMesh(core_axis_name="c", subcore_axis_name="s"),
    out_type=(
        jax.ShapeDtypeStruct((B, H0W), jnp.float32),
        jax.ShapeDtypeStruct((B, H1W), jnp.float32),
    ),
    scratch_types=[
        pltpu.VMEM((BPW, 2), jnp.int32),
        pltpu.VMEM((BPW, 1), jnp.int32),
        pltpu.VMEM((BPW,), jnp.int32),
        pltpu.VMEM((BPW,), jnp.int32),
        pltpu.VMEM((BPW,), jnp.int32),
        pltpu.VMEM((BPW, D0N), jnp.float32),
        pltpu.VMEM((BPW, D1N), jnp.float32),
        pltpu.VMEM((BPW, W1), jnp.float32),
        pltpu.VMEM((BPW, W2), jnp.float32),
        pltpu.VMEM((BPW, W3), jnp.float32),
        pltpu.VMEM((BPW, H0W), jnp.float32),
        pltpu.VMEM((BPW, H1W), jnp.float32),
        pltpu.SemaphoreType.DMA,
        pltpu.SemaphoreType.DMA,
    ],
    compiler_params=pltpu.CompilerParams(
        use_tc_tiling_on_sc=False, needs_layout_passes=False),
)
def _embed_concat(x0c, x1c, x0n, x1n, e1, e2, e3, h0, h1,
                  c01_v, c1m_v, i0a_v, i0b_v, i1_v, n0_v, n1_v,
                  g0a_v, g0b_v, g1_v, buf0, buf1, sem0, sem1):
    wid = lax.axis_index("s") * _NC + lax.axis_index("c")
    base = wid * BPW
    rows = pl.ds(base, BPW)
    pltpu.sync_copy(x0c.at[rows, :], c01_v)
    pltpu.sync_copy(x1c.at[rows, :], c1m_v)

    iota = lax.iota(jnp.int32, L)
    zeros = jnp.zeros((L,), jnp.int32)
    ones = jnp.full((L,), 1, jnp.int32)
    m10 = iota < D0N

    for k in range(BPW // L):
        ridx = iota + (k * L)
        sl = pl.ds(k * L, L)
        i0a_v[sl] = plsc.load_gather(c01_v, [ridx, zeros])
        i0b_v[sl] = plsc.load_gather(c01_v, [ridx, ones])
        i1_v[sl] = plsc.load_gather(c1m_v, [ridx, zeros])

    cp_n0 = pltpu.async_copy(x0n.at[rows, :], n0_v, sem0)
    g0a = pltpu.async_copy(e1.at[i0a_v], g0a_v, sem0)
    g0b = pltpu.async_copy(e2.at[i0b_v], g0b_v, sem0)
    cp_n1 = pltpu.async_copy(x1n.at[rows, :], n1_v, sem1)
    g1 = pltpu.async_copy(e3.at[i1_v], g1_v, sem1)

    cp_n0.wait()
    g0a.wait()
    g0b.wait()

    def body0(r, _):
        rsp = jnp.full((L,), r, jnp.int32)
        x = plsc.load_gather(n0_v, [rsp, iota], mask=m10)
        plsc.store_scatter(buf0, [rsp, iota], x, mask=m10)
        for c in (0, 16):
            x = g0a_v[r, pl.ds(c, L)]
            plsc.store_scatter(buf0, [rsp, iota + (D0N + c)], x)
        x = g0b_v[r, pl.ds(0, L)]
        plsc.store_scatter(buf0, [rsp, iota + (D0N + W1)], x)
        return _

    lax.fori_loop(0, BPW, body0, None)
    out0 = pltpu.async_copy(buf0, h0.at[rows], sem0)

    cp_n1.wait()
    g1.wait()

    def body1(r, _):
        rsp = jnp.full((L,), r, jnp.int32)
        for c in (0, D1N - L):
            x = plsc.load_gather(n1_v, [rsp, iota + c])
            plsc.store_scatter(buf1, [rsp, iota + c], x)
        for c in (0, 16, 32, 48):
            x = g1_v[r, pl.ds(c, L)]
            plsc.store_scatter(buf1, [rsp, iota + (D1N + c)], x)
        return _

    lax.fori_loop(0, BPW, body1, None)
    out0.wait()
    pltpu.sync_copy(buf1, h1.at[rows])


def kernel(X0_num, X0_cat, X1_num, X1_cat, X2_num, E_cat1, E_cat2, E_cat3):
    H0, H1 = _embed_concat(X0_cat, X1_cat, X0_num, X1_num,
                           E_cat1, E_cat2, E_cat3)
    return (H0, H1, X2_num)

# --- scband reference (transcript-rebuilt; emitter-appended) ---
"""Pipeline reference for scband-multi-table-input-73675868995901 (READ-ONLY COPY).

The authoritative reference and input builder live on the scoring server;
editing this copy changes nothing except your own understanding.
"""

import jax, jax.numpy as jnp
import numpy as np


def setup_inputs(seed: int = 0) -> dict:
    key = jax.random.key(seed)
    ks = jax.random.split(key, 9)
    X0_num = jax.random.normal(ks[0], (4096, 10), dtype=jnp.float32)
    # two categorical columns for table 0: cat1 vocab=100000, cat2 vocab=1000
    c0a = jax.random.randint(ks[1], (4096, 1), 0, 100000, dtype=jnp.int32)
    c0b = jax.random.randint(ks[2], (4096, 1), 0, 1000, dtype=jnp.int32)
    X0_cat = jnp.concatenate([c0a, c0b], axis=1)
    X1_num = jax.random.normal(ks[3], (4096, 20), dtype=jnp.float32)
    X1_cat = jax.random.randint(ks[4], (4096, 1), 0, 100000, dtype=jnp.int32)
    X2_num = jax.random.normal(ks[5], (4096, 8), dtype=jnp.float32)
    # embedding tables (learned parameters), sized per init_kwargs
    E_cat1 = jax.random.normal(ks[6], (100000, 32), dtype=jnp.float32) * 0.01
    E_cat2 = jax.random.normal(ks[7], (1000, 16), dtype=jnp.float32) * 0.01
    E_cat3 = jax.random.normal(ks[8], (100000, 64), dtype=jnp.float32) * 0.01
    return {
        "X0_num": X0_num, "X0_cat": X0_cat,
        "X1_num": X1_num, "X1_cat": X1_cat,
        "X2_num": X2_num,
        "E_cat1": E_cat1, "E_cat2": E_cat2, "E_cat3": E_cat3,
    }


def reference(X0_num, X0_cat, X1_num, X1_cat, X2_num, E_cat1, E_cat2, E_cat3):
    # MultiTableInput: per table, embed categorical features and concatenate
    # with numeric features (batch_norm=False, dropout=None -> numeric path is identity).
    # Table 0: 10 numeric + cat1(32) + cat2(16)
    e0a = jnp.take(E_cat1, X0_cat[:, 0], axis=0)
    e0b = jnp.take(E_cat2, X0_cat[:, 1], axis=0)
    H0 = jnp.concatenate([X0_num, e0a, e0b], axis=1)
    # Table 1: 20 numeric + cat3(64)
    e1 = jnp.take(E_cat3, X1_cat[:, 0], axis=0)
    H1 = jnp.concatenate([X1_num, e1], axis=1)
    # Table 2: 8 numeric, no categorical features
    H2 = X2_num
    return (H0, H1, H2)

if __name__ == "__main__":
    import jax
    _d = setup_inputs()
    print(jax.jit(kernel)(*tuple(_d.values())))

</pallas_src>

<mosaic_0001>
#map = affine_map<(d0, d1) -> (0, 0)>
module attributes {stable_mosaic.version = 14 : i64} {
  func.func @_embed_concat(%arg0: i32, %arg1: i32, %arg2: memref<4096x2xi32, #tpu.memory_space<hbm>>, %arg3: memref<4096x1xi32, #tpu.memory_space<hbm>>, %arg4: memref<4096x10xf32, #tpu.memory_space<hbm>>, %arg5: memref<4096x20xf32, #tpu.memory_space<hbm>>, %arg6: memref<100000x32xf32, #tpu.memory_space<hbm>>, %arg7: memref<1000x16xf32, #tpu.memory_space<hbm>>, %arg8: memref<100000x64xf32, #tpu.memory_space<hbm>>, %arg9: memref<4096x58xf32, #tpu.memory_space<hbm>>, %arg10: memref<4096x84xf32, #tpu.memory_space<hbm>>, %arg11: memref<128x2xi32, #tpu.memory_space<vmem>>, %arg12: memref<128x1xi32, #tpu.memory_space<vmem>>, %arg13: memref<128xi32, #tpu.memory_space<vmem>>, %arg14: memref<128xi32, #tpu.memory_space<vmem>>, %arg15: memref<128xi32, #tpu.memory_space<vmem>>, %arg16: memref<128x10xf32, #tpu.memory_space<vmem>>, %arg17: memref<128x20xf32, #tpu.memory_space<vmem>>, %arg18: memref<128x32xf32, #tpu.memory_space<vmem>>, %arg19: memref<128x16xf32, #tpu.memory_space<vmem>>, %arg20: memref<128x64xf32, #tpu.memory_space<vmem>>, %arg21: memref<128x58xf32, #tpu.memory_space<vmem>>, %arg22: memref<128x84xf32, #tpu.memory_space<vmem>>, %arg23: memref<!tpu.dma_semaphore, #tpu.memory_space<semaphore_mem>>, %arg24: memref<!tpu.dma_semaphore, #tpu.memory_space<semaphore_mem>>) attributes {dimension_semantics = [#tpu.dimension_semantics<core_parallel>, #tpu.dimension_semantics<subcore_parallel>], iteration_bounds = array<i64: 2, 16>, scalar_prefetch = 0 : i64, scratch_operands = 14 : i64, tpu.core_type = #tpu.core_type<sc_vector_subcore>, window_params = [{transform_indices = #map}, {transform_indices = #map}, {transform_indices = #map}, {transform_indices = #map}, {transform_indices = #map}, {transform_indices = #map}, {transform_indices = #map}, {transform_indices = #map}, {transform_indices = #map}]} {
    %mul3A = arith.constant 2 : i32
    %mul3A_0 = arith.muli %arg1, %mul3A : i32
    %add3A = arith.addi %mul3A_0, %arg0 : i32
    %mul3A_1 = arith.constant 128 : i32
    %mul3A_2 = arith.muli %add3A, %mul3A_1 : i32
    "tpu.region"() ({
      %run_scoped3A = tpu.sem_alloc : memref<!tpu.dma_semaphore, #tpu.memory_space<semaphore_mem>>
      %dma_start3A_151 = arith.constant 0 : i32
      %dma_start3A_152 = tpu.memref_slice %arg2[%mul3A_2, %dma_start3A_151] : memref<4096x2xi32, #tpu.memory_space<hbm>> -> memref<128x2xi32, #tpu.memory_space<hbm>>
      %dma_start3A_153 = arith.constant 0 : i32
      %dma_start3A_154 = tpu.memref_slice %arg2[%mul3A_2, %dma_start3A_153] : memref<4096x2xi32, #tpu.memory_space<hbm>> -> memref<128x2xi32, #tpu.memory_space<hbm>>
      tpu.enqueue_dma source(%dma_start3A_154 : memref<128x2xi32, #tpu.memory_space<hbm>>) target(%arg11 : memref<128x2xi32, #tpu.memory_space<vmem>>) target_semaphore(%run_scoped3A : memref<!tpu.dma_semaphore, #tpu.memory_space<semaphore_mem>>)
      %dma_wait3A_155 = arith.constant 0 : i32
      %dma_wait3A_156 = tpu.memref_slice %arg2[%mul3A_2, %dma_wait3A_155] : memref<4096x2xi32, #tpu.memory_space<hbm>> -> memref<128x2xi32, #tpu.memory_space<hbm>>
      %dma_wait3A_157 = arith.constant 0 : i32
      %dma_wait3A_158 = tpu.memref_slice %arg2[%mul3A_2, %dma_wait3A_157] : memref<4096x2xi32, #tpu.memory_space<hbm>> -> memref<128x2xi32, #tpu.memory_space<hbm>>
      tpu.wait_dma2 semaphore(%run_scoped3A : memref<!tpu.dma_semaphore, #tpu.memory_space<semaphore_mem>>) src(%dma_wait3A_158 : memref<128x2xi32, #tpu.memory_space<hbm>>) dst(%arg11 : memref<128x2xi32, #tpu.memory_space<vmem>>)
      tpu.yield
    }) : () -> ()
    "tpu.region"() ({
      %run_scoped3A = tpu.sem_alloc : memref<!tpu.dma_semaphore, #tpu.memory_space<semaphore_mem>>
      %dma_start3A_151 = arith.constant 0 : i32
      %dma_start3A_152 = tpu.memref_slice %arg3[%mul3A_2, %dma_start3A_151] : memref<4096x1xi32, #tpu.memory_space<hbm>> -> memref<128x1xi32, #tpu.memory_space<hbm>>
      %dma_start3A_153 = arith.constant 0 : i32
      %dma_start3A_154 = tpu.memref_slice %arg3[%mul3A_2, %dma_start3A_153] : memref<4096x1xi32, #tpu.memory_space<hbm>> -> memref<128x1xi32, #tpu.memory_space<hbm>>
      tpu.enqueue_dma source(%dma_start3A_154 : memref<128x1xi32, #tpu.memory_space<hbm>>) target(%arg12 : memref<128x1xi32, #tpu.memory_space<vmem>>) target_semaphore(%run_scoped3A : memref<!tpu.dma_semaphore, #tpu.memory_space<semaphore_mem>>)
      %dma_wait3A_155 = arith.constant 0 : i32
      %dma_wait3A_156 = tpu.memref_slice %arg3[%mul3A_2, %dma_wait3A_155] : memref<4096x1xi32, #tpu.memory_space<hbm>> -> memref<128x1xi32, #tpu.memory_space<hbm>>
      %dma_wait3A_157 = arith.constant 0 : i32
      %dma_wait3A_158 = tpu.memref_slice %arg3[%mul3A_2, %dma_wait3A_157] : memref<4096x1xi32, #tpu.memory_space<hbm>> -> memref<128x1xi32, #tpu.memory_space<hbm>>
      tpu.wait_dma2 semaphore(%run_scoped3A : memref<!tpu.dma_semaphore, #tpu.memory_space<semaphore_mem>>) src(%dma_wait3A_158 : memref<128x1xi32, #tpu.memory_space<hbm>>) dst(%arg12 : memref<128x1xi32, #tpu.memory_space<vmem>>)
      tpu.yield
    }) : () -> ()
    %iota3A = tpu.iota {dimensions = array<i32: 0>} : vector<16xi32>
    %broadcast_in_dim3A = arith.constant 0 : i32
    %broadcast_in_dim3A_3 = vector.broadcast %broadcast_in_dim3A : i32 to vector<16xi32>
    %broadcast_in_dim3A_4 = arith.constant 1 : i32
    %broadcast_in_dim3A_5 = vector.broadcast %broadcast_in_dim3A_4 : i32 to vector<16xi32>
    %lt3A = arith.constant 10 : i32
    %lt3A_6 = vector.broadcast %lt3A : i32 to vector<16xi32>
    %lt3A_7 = arith.cmpi slt, %iota3A, %lt3A_6 : vector<16xi32>
    %add3A_8 = arith.constant 0 : i32
    %add3A_9 = vector.broadcast %add3A_8 : i32 to vector<16xi32>
    %add3A_10 = arith.addi %iota3A, %add3A_9 : vector<16xi32>
    %gather3A = tpu.vector_load_idx %arg11[%add3A_10, %broadcast_in_dim3A_3] : memref<128x2xi32, #tpu.memory_space<vmem>>[vector<16xi32>, vector<16xi32>], vector<16xi32>,
    %swap3A = arith.constant 0 : index
    %swap3A_11 = tpu.vector_load %arg13[%swap3A] {strides = array<i32>} : memref<128xi32, #tpu.memory_space<vmem>>, vector<16xi32>,
    tpu.vector_store %arg13[%swap3A], %gather3A {strides = array<i32>} : memref<128xi32, #tpu.memory_space<vmem>>, vector<16xi32>,
    %gather3A_12 = tpu.vector_load_idx %arg11[%add3A_10, %broadcast_in_dim3A_5] : memref<128x2xi32, #tpu.memory_space<vmem>>[vector<16xi32>, vector<16xi32>], vector<16xi32>,
    %swap3A_13 = arith.constant 0 : index
    %swap3A_14 = tpu.vector_load %arg14[%swap3A_13] {strides = array<i32>} : memref<128xi32, #tpu.memory_space<vmem>>, vector<16xi32>,
    tpu.vector_store %arg14[%swap3A_13], %gather3A_12 {strides = array<i32>} : memref<128xi32, #tpu.memory_space<vmem>>, vector<16xi32>,
    %gather3A_15 = tpu.vector_load_idx %arg12[%add3A_10, %broadcast_in_dim3A_3] : memref<128x1xi32, #tpu.memory_space<vmem>>[vector<16xi32>, vector<16xi32>], vector<16xi32>,
    %swap3A_16 = arith.constant 0 : index
    %swap3A_17 = tpu.vector_load %arg15[%swap3A_16] {strides = array<i32>} : memref<128xi32, #tpu.memory_space<vmem>>, vector<16xi32>,
    tpu.vector_store %arg15[%swap3A_16], %gather3A_15 {strides = array<i32>} : memref<128xi32, #tpu.memory_space<vmem>>, vector<16xi32>,
    %add3A_18 = arith.constant 16 : i32
    %add3A_19 = vector.broadcast %add3A_18 : i32 to vector<16xi32>
    %add3A_20 = arith.addi %iota3A, %add3A_19 : vector<16xi32>
    %gather3A_21 = tpu.vector_load_idx %arg11[%add3A_20, %broadcast_in_dim3A_3] : memref<128x2xi32, #tpu.memory_space<vmem>>[vector<16xi32>, vector<16xi32>], vector<16xi32>,
    %swap3A_22 = arith.constant 16 : index
    %swap3A_23 = tpu.vector_load %arg13[%swap3A_22] {strides = array<i32>} : memref<128xi32, #tpu.memory_space<vmem>>, vector<16xi32>,
    tpu.vector_store %arg13[%swap3A_22], %gather3A_21 {strides = array<i32>} : memref<128xi32, #tpu.memory_space<vmem>>, vector<16xi32>,
    %gather3A_24 = tpu.vector_load_idx %arg11[%add3A_20, %broadcast_in_dim3A_5] : memref<128x2xi32, #tpu.memory_space<vmem>>[vector<16xi32>, vector<16xi32>], vector<16xi32>,
    %swap3A_25 = arith.constant 16 : index
    %swap3A_26 = tpu.vector_load %arg14[%swap3A_25] {strides = array<i32>} : memref<128xi32, #tpu.memory_space<vmem>>, vector<16xi32>,
    tpu.vector_store %arg14[%swap3A_25], %gather3A_24 {strides = array<i32>} : memref<128xi32, #tpu.memory_space<vmem>>, vector<16xi32>,
    %gather3A_27 = tpu.vector_load_idx %arg12[%add3A_20, %broadcast_in_dim3A_3] : memref<128x1xi32, #tpu.memory_space<vmem>>[vector<16xi32>, vector<16xi32>], vector<16xi32>,
    %swap3A_28 = arith.constant 16 : index
    %swap3A_29 = tpu.vector_load %arg15[%swap3A_28] {strides = array<i32>} : memref<128xi32, #tpu.memory_space<vmem>>, vector<16xi32>,
    tpu.vector_store %arg15[%swap3A_28], %gather3A_27 {strides = array<i32>} : memref<128xi32, #tpu.memory_space<vmem>>, vector<16xi32>,
    %add3A_30 = arith.constant 32 : i32
    %add3A_31 = vector.broadcast %add3A_30 : i32 to vector<16xi32>
    %add3A_32 = arith.addi %iota3A, %add3A_31 : vector<16xi32>
    %gather3A_33 = tpu.vector_load_idx %arg11[%add3A_32, %broadcast_in_dim3A_3] : memref<128x2xi32, #tpu.memory_space<vmem>>[vector<16xi32>, vector<16xi32>], vector<16xi32>,
    %swap3A_34 = arith.constant 32 : index
    %swap3A_35 = tpu.vector_load %arg13[%swap3A_34] {strides = array<i32>} : memref<128xi32, #tpu.memory_space<vmem>>, vector<16xi32>,
    tpu.vector_store %arg13[%swap3A_34], %gather3A_33 {strides = array<i32>} : memref<128xi32, #tpu.memory_space<vmem>>, vector<16xi32>,
    %gather3A_36 = tpu.vector_load_idx %arg11[%add3A_32, %broadcast_in_dim3A_5] : memref<128x2xi32, #tpu.memory_space<vmem>>[vector<16xi32>, vector<16xi32>], vector<16xi32>,
    %swap3A_37 = arith.constant 32 : index
    %swap3A_38 = tpu.vector_load %arg14[%swap3A_37] {strides = array<i32>} : memref<128xi32, #tpu.memory_space<vmem>>, vector<16xi32>,
    tpu.vector_store %arg14[%swap3A_37], %gather3A_36 {strides = array<i32>} : memref<128xi32, #tpu.memory_space<vmem>>, vector<16xi32>,
    %gather3A_39 = tpu.vector_load_idx %arg12[%add3A_32, %broadcast_in_dim3A_3] : memref<128x1xi32, #tpu.memory_space<vmem>>[vector<16xi32>, vector<16xi32>], vector<16xi32>,
    %swap3A_40 = arith.constant 32 : index
    %swap3A_41 = tpu.vector_load %arg15[%swap3A_40] {strides = array<i32>} : memref<128xi32, #tpu.memory_space<vmem>>, vector<16xi32>,
    tpu.vector_store %arg15[%swap3A_40], %gather3A_39 {strides = array<i32>} : memref<128xi32, #tpu.memory_space<vmem>>, vector<16xi32>,
    %add3A_42 = arith.constant 48 : i32
    %add3A_43 = vector.broadcast %add3A_42 : i32 to vector<16xi32>
    %add3A_44 = arith.addi %iota3A, %add3A_43 : vector<16xi32>
    %gather3A_45 = tpu.vector_load_idx %arg11[%add3A_44, %broadcast_in_dim3A_3] : memref<128x2xi32, #tpu.memory_space<vmem>>[vector<16xi32>, vector<16xi32>], vector<16xi32>,
    %swap3A_46 = arith.constant 48 : index
    %swap3A_47 = tpu.vector_load %arg13[%swap3A_46] {strides = array<i32>} : memref<128xi32, #tpu.memory_space<vmem>>, vector<16xi32>,
    tpu.vector_store %arg13[%swap3A_46], %gather3A_45 {strides = array<i32>} : memref<128xi32, #tpu.memory_space<vmem>>, vector<16xi32>,
    %gather3A_48 = tpu.vector_load_idx %arg11[%add3A_44, %broadcast_in_dim3A_5] : memref<128x2xi32, #tpu.memory_space<vmem>>[vector<16xi32>, vector<16xi32>], vector<16xi32>,
    %swap3A_49 = arith.constant 48 : index
    %swap3A_50 = tpu.vector_load %arg14[%swap3A_49] {strides = array<i32>} : memref<128xi32, #tpu.memory_space<vmem>>, vector<16xi32>,
    tpu.vector_store %arg14[%swap3A_49], %gather3A_48 {strides = array<i32>} : memref<128xi32, #tpu.memory_space<vmem>>, vector<16xi32>,
    %gather3A_51 = tpu.vector_load_idx %arg12[%add3A_44, %broadcast_in_dim3A_3] : memref<128x1xi32, #tpu.memory_space<vmem>>[vector<16xi32>, vector<16xi32>], vector<16xi32>,
    %swap3A_52 = arith.constant 48 : index
    %swap3A_53 = tpu.vector_load %arg15[%swap3A_52] {strides = array<i32>} : memref<128xi32, #tpu.memory_space<vmem>>, vector<16xi32>,
    tpu.vector_store %arg15[%swap3A_52], %gather3A_51 {strides = array<i32>} : memref<128xi32, #tpu.memory_space<vmem>>, vector<16xi32>,
    %add3A_54 = arith.constant 64 : i32
    %add3A_55 = vector.broadcast %add3A_54 : i32 to vector<16xi32>
    %add3A_56 = arith.addi %iota3A, %add3A_55 : vector<16xi32>
    %gather3A_57 = tpu.vector_load_idx %arg11[%add3A_56, %broadcast_in_dim3A_3] : memref<128x2xi32, #tpu.memory_space<vmem>>[vector<16xi32>, vector<16xi32>], vector<16xi32>,
    %swap3A_58 = arith.constant 64 : index
    %swap3A_59 = tpu.vector_load %arg13[%swap3A_58] {strides = array<i32>} : memref<128xi32, #tpu.memory_space<vmem>>, vector<16xi32>,
    tpu.vector_store %arg13[%swap3A_58], %gather3A_57 {strides = array<i32>} : memref<128xi32, #tpu.memory_space<vmem>>, vector<16xi32>,
    %gather3A_60 = tpu.vector_load_idx %arg11[%add3A_56, %broadcast_in_dim3A_5] : memref<128x2xi32, #tpu.memory_space<vmem>>[vector<16xi32>, vector<16xi32>], vector<16xi32>,
    %swap3A_61 = arith.constant 64 : index
    %swap3A_62 = tpu.vector_load %arg14[%swap3A_61] {strides = array<i32>} : memref<128xi32, #tpu.memory_space<vmem>>, vector<16xi32>,
    tpu.vector_store %arg14[%swap3A_61], %gather3A_60 {strides = array<i32>} : memref<128xi32, #tpu.memory_space<vmem>>, vector<16xi32>,
    %gather3A_63 = tpu.vector_load_idx %arg12[%add3A_56, %broadcast_in_dim3A_3] : memref<128x1xi32, #tpu.memory_space<vmem>>[vector<16xi32>, vector<16xi32>], vector<16xi32>,
    %swap3A_64 = arith.constant 64 : index
    %swap3A_65 = tpu.vector_load %arg15[%swap3A_64] {strides = array<i32>} : memref<128xi32, #tpu.memory_space<vmem>>, vector<16xi32>,
    tpu.vector_store %arg15[%swap3A_64], %gather3A_63 {strides = array<i32>} : memref<128xi32, #tpu.memory_space<vmem>>, vector<16xi32>,
    %add3A_66 = arith.constant 80 : i32
    %add3A_67 = vector.broadcast %add3A_66 : i32 to vector<16xi32>
    %add3A_68 = arith.addi %iota3A, %add3A_67 : vector<16xi32>
    %gather3A_69 = tpu.vector_load_idx %arg11[%add3A_68, %broadcast_in_dim3A_3] : memref<128x2xi32, #tpu.memory_space<vmem>>[vector<16xi32>, vector<16xi32>], vector<16xi32>,
    %swap3A_70 = arith.constant 80 : index
    %swap3A_71 = tpu.vector_load %arg13[%swap3A_70] {strides = array<i32>} : memref<128xi32, #tpu.memory_space<vmem>>, vector<16xi32>,
    tpu.vector_store %arg13[%swap3A_70], %gather3A_69 {strides = array<i32>} : memref<128xi32, #tpu.memory_space<vmem>>, vector<16xi32>,
    %gather3A_72 = tpu.vector_load_idx %arg11[%add3A_68, %broadcast_in_dim3A_5] : memref<128x2xi32, #tpu.memory_space<vmem>>[vector<16xi32>, vector<16xi32>], vector<16xi32>,
    %swap3A_73 = arith.constant 80 : index
    %swap3A_74 = tpu.vector_load %arg14[%swap3A_73] {strides = array<i32>} : memref<128xi32, #tpu.memory_space<vmem>>, vector<16xi32>,
    tpu.vector_store %arg14[%swap3A_73], %gather3A_72 {strides = array<i32>} : memref<128xi32, #tpu.memory_space<vmem>>, vector<16xi32>,
    %gather3A_75 = tpu.vector_load_idx %arg12[%add3A_68, %broadcast_in_dim3A_3] : memref<128x1xi32, #tpu.memory_space<vmem>>[vector<16xi32>, vector<16xi32>], vector<16xi32>,
    %swap3A_76 = arith.constant 80 : index
    %swap3A_77 = tpu.vector_load %arg15[%swap3A_76] {strides = array<i32>} : memref<128xi32, #tpu.memory_space<vmem>>, vector<16xi32>,
    tpu.vector_store %arg15[%swap3A_76], %gather3A_75 {strides = array<i32>} : memref<128xi32, #tpu.memory_space<vmem>>, vector<16xi32>,
    %add3A_78 = arith.constant 96 : i32
    %add3A_79 = vector.broadcast %add3A_78 : i32 to vector<16xi32>
    %add3A_80 = arith.addi %iota3A, %add3A_79 : vector<16xi32>
    %gather3A_81 = tpu.vector_load_idx %arg11[%add3A_80, %broadcast_in_dim3A_3] : memref<128x2xi32, #tpu.memory_space<vmem>>[vector<16xi32>, vector<16xi32>], vector<16xi32>,
    %swap3A_82 = arith.constant 96 : index
    %swap3A_83 = tpu.vector_load %arg13[%swap3A_82] {strides = array<i32>} : memref<128xi32, #tpu.memory_space<vmem>>, vector<16xi32>,
    tpu.vector_store %arg13[%swap3A_82], %gather3A_81 {strides = array<i32>} : memref<128xi32, #tpu.memory_space<vmem>>, vector<16xi32>,
    %gather3A_84 = tpu.vector_load_idx %arg11[%add3A_80, %broadcast_in_dim3A_5] : memref<128x2xi32, #tpu.memory_space<vmem>>[vector<16xi32>, vector<16xi32>], vector<16xi32>,
    %swap3A_85 = arith.constant 96 : index
    %swap3A_86 = tpu.vector_load %arg14[%swap3A_85] {strides = array<i32>} : memref<128xi32, #tpu.memory_space<vmem>>, vector<16xi32>,
    tpu.vector_store %arg14[%swap3A_85], %gather3A_84 {strides = array<i32>} : memref<128xi32, #tpu.memory_space<vmem>>, vector<16xi32>,
    %gather3A_87 = tpu.vector_load_idx %arg12[%add3A_80, %broadcast_in_dim3A_3] : memref<128x1xi32, #tpu.memory_space<vmem>>[vector<16xi32>, vector<16xi32>], vector<16xi32>,
    %swap3A_88 = arith.constant 96 : index
    %swap3A_89 = tpu.vector_load %arg15[%swap3A_88] {strides = array<i32>} : memref<128xi32, #tpu.memory_space<vmem>>, vector<16xi32>,
    tpu.vector_store %arg15[%swap3A_88], %gather3A_87 {strides = array<i32>} : memref<128xi32, #tpu.memory_space<vmem>>, vector<16xi32>,
    %add3A_90 = arith.constant 112 : i32
    %add3A_91 = vector.broadcast %add3A_90 : i32 to vector<16xi32>
    %add3A_92 = arith.addi %iota3A, %add3A_91 : vector<16xi32>
    %gather3A_93 = tpu.vector_load_idx %arg11[%add3A_92, %broadcast_in_dim3A_3] : memref<128x2xi32, #tpu.memory_space<vmem>>[vector<16xi32>, vector<16xi32>], vector<16xi32>,
    %swap3A_94 = arith.constant 112 : index
    %swap3A_95 = tpu.vector_load %arg13[%swap3A_94] {strides = array<i32>} : memref<128xi32, #tpu.memory_space<vmem>>, vector<16xi32>,
    tpu.vector_store %arg13[%swap3A_94], %gather3A_93 {strides = array<i32>} : memref<128xi32, #tpu.memory_space<vmem>>, vector<16xi32>,
    %gather3A_96 = tpu.vector_load_idx %arg11[%add3A_92, %broadcast_in_dim3A_5] : memref<128x2xi32, #tpu.memory_space<vmem>>[vector<16xi32>, vector<16xi32>], vector<16xi32>,
    %swap3A_97 = arith.constant 112 : index
    %swap3A_98 = tpu.vector_load %arg14[%swap3A_97] {strides = array<i32>} : memref<128xi32, #tpu.memory_space<vmem>>, vector<16xi32>,
    tpu.vector_store %arg14[%swap3A_97], %gather3A_96 {strides = array<i32>} : memref<128xi32, #tpu.memory_space<vmem>>, vector<16xi32>,
    %gather3A_99 = tpu.vector_load_idx %arg12[%add3A_92, %broadcast_in_dim3A_3] : memref<128x1xi32, #tpu.memory_space<vmem>>[vector<16xi32>, vector<16xi32>], vector<16xi32>,
    %swap3A_100 = arith.constant 112 : index
    %swap3A_101 = tpu.vector_load %arg15[%swap3A_100] {strides = array<i32>} : memref<128xi32, #tpu.memory_space<vmem>>, vector<16xi32>,
    tpu.vector_store %arg15[%swap3A_100], %gather3A_99 {strides = array<i32>} : memref<128xi32, #tpu.memory_space<vmem>>, vector<16xi32>,
    %dma_start3A = arith.constant 0 : i32
    %dma_start3A_102 = tpu.memref_slice %arg4[%mul3A_2, %dma_start3A] : memref<4096x10xf32, #tpu.memory_space<hbm>> -> memref<128x10xf32, #tpu.memory_space<hbm>>
    %dma_start3A_103 = arith.constant 0 : i32
    %dma_start3A_104 = tpu.memref_slice %arg4[%mul3A_2, %dma_start3A_103] : memref<4096x10xf32, #tpu.memory_space<hbm>> -> memref<128x10xf32, #tpu.memory_space<hbm>>
    tpu.enqueue_dma source(%dma_start3A_104 : memref<128x10xf32, #tpu.memory_space<hbm>>) target(%arg16 : memref<128x10xf32, #tpu.memory_space<vmem>>) target_semaphore(%arg23 : memref<!tpu.dma_semaphore, #tpu.memory_space<semaphore_mem>>)
    %dma_start3A_105 = arith.constant 0 : i32
    %dma_start3A_106 = arith.constant 0 : i32
    %dma_start3A_107 = tpu.memref_slice %arg6[%dma_start3A_105, %dma_start3A_106] : memref<100000x32xf32, #tpu.memory_space<hbm>> -> memref<100000x32xf32, #tpu.memory_space<hbm>>
    tpu.enqueue_indirect_dma source(%dma_start3A_107 : memref<100000x32xf32, #tpu.memory_space<hbm>>) target(%arg18 : memref<128x32xf32, #tpu.memory_space<vmem>>) offsets(%arg13 : memref<128xi32, #tpu.memory_space<vmem>>) semaphore(%arg23 : memref<!tpu.dma_semaphore, #tpu.memory_space<semaphore_mem>>)
    %dma_start3A_108 = arith.constant 0 : i32
    %dma_start3A_109 = arith.constant 0 : i32
    %dma_start3A_110 = tpu.memref_slice %arg7[%dma_start3A_108, %dma_start3A_109] : memref<1000x16xf32, #tpu.memory_space<hbm>> -> memref<1000x16xf32, #tpu.memory_space<hbm>>
    tpu.enqueue_indirect_dma source(%dma_start3A_110 : memref<1000x16xf32, #tpu.memory_space<hbm>>) target(%arg19 : memref<128x16xf32, #tpu.memory_space<vmem>>) offsets(%arg14 : memref<128xi32, #tpu.memory_space<vmem>>) semaphore(%arg23 : memref<!tpu.dma_semaphore, #tpu.memory_space<semaphore_mem>>)
    %dma_start3A_111 = arith.constant 0 : i32
    %dma_start3A_112 = tpu.memref_slice %arg5[%mul3A_2, %dma_start3A_111] : memref<4096x20xf32, #tpu.memory_space<hbm>> -> memref<128x20xf32, #tpu.memory_space<hbm>>
    %dma_start3A_113 = arith.constant 0 : i32
    %dma_start3A_114 = tpu.memref_slice %arg5[%mul3A_2, %dma_start3A_113] : memref<4096x20xf32, #tpu.memory_space<hbm>> -> memref<128x20xf32, #tpu.memory_space<hbm>>
    tpu.enqueue_dma source(%dma_start3A_114 : memref<128x20xf32, #tpu.memory_space<hbm>>) target(%arg17 : memref<128x20xf32, #tpu.memory_space<vmem>>) target_semaphore(%arg24 : memref<!tpu.dma_semaphore, #tpu.memory_space<semaphore_mem>>)
    %dma_start3A_115 = arith.constant 0 : i32
    %dma_start3A_116 = arith.constant 0 : i32
    %dma_start3A_117 = tpu.memref_slice %arg8[%dma_start3A_115, %dma_start3A_116] : memref<100000x64xf32, #tpu.memory_space<hbm>> -> memref<100000x64xf32, #tpu.memory_space<hbm>>
    tpu.enqueue_indirect_dma source(%dma_start3A_117 : memref<100000x64xf32, #tpu.memory_space<hbm>>) target(%arg20 : memref<128x64xf32, #tpu.memory_space<vmem>>) offsets(%arg15 : memref<128xi32, #tpu.memory_space<vmem>>) semaphore(%arg24 : memref<!tpu.dma_semaphore, #tpu.memory_space<semaphore_mem>>)
    %dma_wait3A = arith.constant 0 : i32
    %dma_wait3A_118 = tpu.memref_slice %arg4[%mul3A_2, %dma_wait3A] : memref<4096x10xf32, #tpu.memory_space<hbm>> -> memref<128x10xf32, #tpu.memory_space<hbm>>
    %dma_wait3A_119 = arith.constant 0 : i32
    %dma_wait3A_120 = tpu.memref_slice %arg4[%mul3A_2, %dma_wait3A_119] : memref<4096x10xf32, #tpu.memory_space<hbm>> -> memref<128x10xf32, #tpu.memory_space<hbm>>
    tpu.wait_dma2 semaphore(%arg23 : memref<!tpu.dma_semaphore, #tpu.memory_space<semaphore_mem>>) src(%dma_wait3A_120 : memref<128x10xf32, #tpu.memory_space<hbm>>) dst(%arg16 : memref<128x10xf32, #tpu.memory_space<vmem>>)
    %dma_wait3A_121 = arith.constant 0 : i32
    %dma_wait3A_122 = arith.constant 0 : i32
    %dma_wait3A_123 = tpu.memref_slice %arg6[%dma_wait3A_121, %dma_wait3A_122] : memref<100000x32xf32, #tpu.memory_space<hbm>> -> memref<100000x32xf32, #tpu.memory_space<hbm>>
    tpu.wait_indirect_dma semaphore(%arg23 : memref<!tpu.dma_semaphore, #tpu.memory_space<semaphore_mem>>) src(%dma_wait3A_123 : memref<100000x32xf32, #tpu.memory_space<hbm>>) dst(%arg18 : memref<128x32xf32, #tpu.memory_space<vmem>>)
    %dma_wait3A_124 = arith.constant 0 : i32
    %dma_wait3A_125 = arith.constant 0 : i32
    %dma_wait3A_126 = tpu.memref_slice %arg7[%dma_wait3A_124, %dma_wait3A_125] : memref<1000x16xf32, #tpu.memory_space<hbm>> -> memref<1000x16xf32, #tpu.memory_space<hbm>>
    tpu.wait_indirect_dma semaphore(%arg23 : memref<!tpu.dma_semaphore, #tpu.memory_space<semaphore_mem>>) src(%dma_wait3A_126 : memref<1000x16xf32, #tpu.memory_space<hbm>>) dst(%arg19 : memref<128x16xf32, #tpu.memory_space<vmem>>)
    %scan3A = arith.constant 0 : i32
    %scan3A_127 = arith.constant 128 : i32
    %scan3A_128 = arith.addi %scan3A, %scan3A_127 : i32
    %scan3A_129 = arith.constant 1 : i32
    scf.for %scan3A_151 = %scan3A to %scan3A_128 step %scan3A_129  : i32 {
      %broadcast_in_dim3A_152 = vector.broadcast %scan3A_151 : i32 to vector<16xi32>
      %gather3A_153 = tpu.vector_load_idx %arg16[%broadcast_in_dim3A_152, %iota3A] masked %lt3A_7 : memref<128x10xf32, #tpu.memory_space<vmem>>[vector<16xi32>, vector<16xi32>], vector<16xf32>, vector<16xi1>
      tpu.vector_store_idx %arg21[%broadcast_in_dim3A_152, %iota3A], %gather3A_153 masked %lt3A_7 : memref<128x58xf32, #tpu.memory_space<vmem>>[vector<16xi32>, vector<16xi32>], vector<16xf32>, vector<16xi1>
      %get3A = arith.index_cast %scan3A_151 : i32 to index
      %get3A_154 = arith.constant 0 : index
      %get3A_155 = tpu.vector_load %arg18[%get3A, %get3A_154] {strides = array<i32>} : memref<128x32xf32, #tpu.memory_space<vmem>>, vector<16xf32>,
      %add3A_156 = arith.constant 10 : i32
      %add3A_157 = vector.broadcast %add3A_156 : i32 to vector<16xi32>
      %add3A_158 = arith.addi %iota3A, %add3A_157 : vector<16xi32>
      tpu.vector_store_idx %arg21[%broadcast_in_dim3A_152, %add3A_158], %get3A_155 : memref<128x58xf32, #tpu.memory_space<vmem>>[vector<16xi32>, vector<16xi32>], vector<16xf32>,
      %get3A_159 = arith.index_cast %scan3A_151 : i32 to index
      %get3A_160 = arith.constant 16 : index
      %get3A_161 = tpu.vector_load %arg18[%get3A_159, %get3A_160] {strides = array<i32>} : memref<128x32xf32, #tpu.memory_space<vmem>>, vector<16xf32>,
      %add3A_162 = arith.constant 26 : i32
      %add3A_163 = vector.broadcast %add3A_162 : i32 to vector<16xi32>
      %add3A_164 = arith.addi %iota3A, %add3A_163 : vector<16xi32>
      tpu.vector_store_idx %arg21[%broadcast_in_dim3A_152, %add3A_164], %get3A_161 : memref<128x58xf32, #tpu.memory_space<vmem>>[vector<16xi32>, vector<16xi32>], vector<16xf32>,
      %get3A_165 = arith.index_cast %scan3A_151 : i32 to index
      %get3A_166 = arith.constant 0 : index
      %get3A_167 = tpu.vector_load %arg19[%get3A_165, %get3A_166] {strides = array<i32>} : memref<128x16xf32, #tpu.memory_space<vmem>>, vector<16xf32>,
      %add3A_168 = arith.constant 42 : i32
      %add3A_169 = vector.broadcast %add3A_168 : i32 to vector<16xi32>
      %add3A_170 = arith.addi %iota3A, %add3A_169 : vector<16xi32>
      tpu.vector_store_idx %arg21[%broadcast_in_dim3A_152, %add3A_170], %get3A_167 : memref<128x58xf32, #tpu.memory_space<vmem>>[vector<16xi32>, vector<16xi32>], vector<16xf32>,
    }
    %scan3A_130 = arith.constant 128 : i32
    %dma_start3A_131 = arith.constant 0 : i32
    %dma_start3A_132 = tpu.memref_slice %arg9[%mul3A_2, %dma_start3A_131] : memref<4096x58xf32, #tpu.memory_space<hbm>> -> memref<128x58xf32, #tpu.memory_space<hbm>>
    %dma_start3A_133 = arith.constant 0 : i32
    %dma_start3A_134 = tpu.memref_slice %arg9[%mul3A_2, %dma_start3A_133] : memref<4096x58xf32, #tpu.memory_space<hbm>> -> memref<128x58xf32, #tpu.memory_space<hbm>>
    tpu.enqueue_dma source(%arg21 : memref<128x58xf32, #tpu.memory_space<vmem>>) target(%dma_start3A_134 : memref<128x58xf32, #tpu.memory_space<hbm>>) target_semaphore(%arg23 : memref<!tpu.dma_semaphore, #tpu.memory_space<semaphore_mem>>)
    %dma_wait3A_135 = arith.constant 0 : i32
    %dma_wait3A_136 = tpu.memref_slice %arg5[%mul3A_2, %dma_wait3A_135] : memref<4096x20xf32, #tpu.memory_space<hbm>> -> memref<128x20xf32, #tpu.memory_space<hbm>>
    %dma_wait3A_137 = arith.constant 0 : i32
    %dma_wait3A_138 = tpu.memref_slice %arg5[%mul3A_2, %dma_wait3A_137] : memref<4096x20xf32, #tpu.memory_space<hbm>> -> memref<128x20xf32, #tpu.memory_space<hbm>>
    tpu.wait_dma2 semaphore(%arg24 : memref<!tpu.dma_semaphore, #tpu.memory_space<semaphore_mem>>) src(%dma_wait3A_138 : memref<128x20xf32, #tpu.memory_space<hbm>>) dst(%arg17 : memref<128x20xf32, #tpu.memory_space<vmem>>)
    %dma_wait3A_139 = arith.constant 0 : i32
    %dma_wait3A_140 = arith.constant 0 : i32
    %dma_wait3A_141 = tpu.memref_slice %arg8[%dma_wait3A_139, %dma_wait3A_140] : memref<100000x64xf32, #tpu.memory_space<hbm>> -> memref<100000x64xf32, #tpu.memory_space<hbm>>
    tpu.wait_indirect_dma semaphore(%arg24 : memref<!tpu.dma_semaphore, #tpu.memory_space<semaphore_mem>>) src(%dma_wait3A_141 : memref<100000x64xf32, #tpu.memory_space<hbm>>) dst(%arg20 : memref<128x64xf32, #tpu.memory_space<vmem>>)
    %scan3A_142 = arith.constant 0 : i32
    %scan3A_143 = arith.constant 128 : i32
    %scan3A_144 = arith.addi %scan3A_142, %scan3A_143 : i32
    %scan3A_145 = arith.constant 1 : i32
    scf.for %scan3A_151 = %scan3A_142 to %scan3A_144 step %scan3A_145  : i32 {
      %broadcast_in_dim3A_152 = vector.broadcast %scan3A_151 : i32 to vector<16xi32>
      %add3A_153 = arith.constant 0 : i32
      %add3A_154 = vector.broadcast %add3A_153 : i32 to vector<16xi32>
      %add3A_155 = arith.addi %iota3A, %add3A_154 : vector<16xi32>
      %gather3A_156 = tpu.vector_load_idx %arg17[%broadcast_in_dim3A_152, %add3A_155] : memref<128x20xf32, #tpu.memory_space<vmem>>[vector<16xi32>, vector<16xi32>], vector<16xf32>,
      %add3A_157 = arith.constant 0 : i32
      %add3A_158 = vector.broadcast %add3A_157 : i32 to vector<16xi32>
      %add3A_159 = arith.addi %iota3A, %add3A_158 : vector<16xi32>
      tpu.vector_store_idx %arg22[%broadcast_in_dim3A_152, %add3A_159], %gather3A_156 : memref<128x84xf32, #tpu.memory_space<vmem>>[vector<16xi32>, vector<16xi32>], vector<16xf32>,
      %add3A_160 = arith.constant 4 : i32
      %add3A_161 = vector.broadcast %add3A_160 : i32 to vector<16xi32>
      %add3A_162 = arith.addi %iota3A, %add3A_161 : vector<16xi32>
      %gather3A_163 = tpu.vector_load_idx %arg17[%broadcast_in_dim3A_152, %add3A_162] : memref<128x20xf32, #tpu.memory_space<vmem>>[vector<16xi32>, vector<16xi32>], vector<16xf32>,
      %add3A_164 = arith.constant 4 : i32
      %add3A_165 = vector.broadcast %add3A_164 : i32 to vector<16xi32>
      %add3A_166 = arith.addi %iota3A, %add3A_165 : vector<16xi32>
      tpu.vector_store_idx %arg22[%broadcast_in_dim3A_152, %add3A_166], %gather3A_163 : memref<128x84xf32, #tpu.memory_space<vmem>>[vector<16xi32>, vector<16xi32>], vector<16xf32>,
      %get3A = arith.index_cast %scan3A_151 : i32 to index
      %get3A_167 = arith.constant 0 : index
      %get3A_168 = tpu.vector_load %arg20[%get3A, %get3A_167] {strides = array<i32>} : memref<128x64xf32, #tpu.memory_space<vmem>>, vector<16xf32>,
      %add3A_169 = arith.constant 20 : i32
      %add3A_170 = vector.broadcast %add3A_169 : i32 to vector<16xi32>
      %add3A_171 = arith.addi %iota3A, %add3A_170 : vector<16xi32>
      tpu.vector_store_idx %arg22[%broadcast_in_dim3A_152, %add3A_171], %get3A_168 : memref<128x84xf32, #tpu.memory_space<vmem>>[vector<16xi32>, vector<16xi32>], vector<16xf32>,
      %get3A_172 = arith.index_cast %scan3A_151 : i32 to index
      %get3A_173 = arith.constant 16 : index
      %get3A_174 = tpu.vector_load %arg20[%get3A_172, %get3A_173] {strides = array<i32>} : memref<128x64xf32, #tpu.memory_space<vmem>>, vector<16xf32>,
      %add3A_175 = arith.constant 36 : i32
      %add3A_176 = vector.broadcast %add3A_175 : i32 to vector<16xi32>
      %add3A_177 = arith.addi %iota3A, %add3A_176 : vector<16xi32>
      tpu.vector_store_idx %arg22[%broadcast_in_dim3A_152, %add3A_177], %get3A_174 : memref<128x84xf32, #tpu.memory_space<vmem>>[vector<16xi32>, vector<16xi32>], vector<16xf32>,
      %get3A_178 = arith.index_cast %scan3A_151 : i32 to index
      %get3A_179 = arith.constant 32 : index
      %get3A_180 = tpu.vector_load %arg20[%get3A_178, %get3A_179] {strides = array<i32>} : memref<128x64xf32, #tpu.memory_space<vmem>>, vector<16xf32>,
      %add3A_181 = arith.constant 52 : i32
      %add3A_182 = vector.broadcast %add3A_181 : i32 to vector<16xi32>
      %add3A_183 = arith.addi %iota3A, %add3A_182 : vector<16xi32>
      tpu.vector_store_idx %arg22[%broadcast_in_dim3A_152, %add3A_183], %get3A_180 : memref<128x84xf32, #tpu.memory_space<vmem>>[vector<16xi32>, vector<16xi32>], vector<16xf32>,
      %get3A_184 = arith.index_cast %scan3A_151 : i32 to index
      %get3A_185 = arith.constant 48 : index
      %get3A_186 = tpu.vector_load %arg20[%get3A_184, %get3A_185] {strides = array<i32>} : memref<128x64xf32, #tpu.memory_space<vmem>>, vector<16xf32>,
      %add3A_187 = arith.constant 68 : i32
      %add3A_188 = vector.broadcast %add3A_187 : i32 to vector<16xi32>
      %add3A_189 = arith.addi %iota3A, %add3A_188 : vector<16xi32>
      tpu.vector_store_idx %arg22[%broadcast_in_dim3A_152, %add3A_189], %get3A_186 : memref<128x84xf32, #tpu.memory_space<vmem>>[vector<16xi32>, vector<16xi32>], vector<16xf32>,
    }
    %scan3A_146 = arith.constant 128 : i32
    %dma_wait3A_147 = arith.constant 0 : i32
    %dma_wait3A_148 = tpu.memref_slice %arg9[%mul3A_2, %dma_wait3A_147] : memref<4096x58xf32, #tpu.memory_space<hbm>> -> memref<128x58xf32, #tpu.memory_space<hbm>>
    %dma_wait3A_149 = arith.constant 0 : i32
    %dma_wait3A_150 = tpu.memref_slice %arg9[%mul3A_2, %dma_wait3A_149] : memref<4096x58xf32, #tpu.memory_space<hbm>> -> memref<128x58xf32, #tpu.memory_space<hbm>>
    tpu.wait_dma2 semaphore(%arg23 : memref<!tpu.dma_semaphore, #tpu.memory_space<semaphore_mem>>) src(%arg21 : memref<128x58xf32, #tpu.memory_space<vmem>>) dst(%dma_wait3A_150 : memref<128x58xf32, #tpu.memory_space<hbm>>)
    "tpu.region"() ({
      %run_scoped3A = tpu.sem_alloc : memref<!tpu.dma_semaphore, #tpu.memory_space<semaphore_mem>>
      %dma_start3A_151 = arith.constant 0 : i32
      %dma_start3A_152 = tpu.memref_slice %arg10[%mul3A_2, %dma_start3A_151] : memref<4096x84xf32, #tpu.memory_space<hbm>> -> memref<128x84xf32, #tpu.memory_space<hbm>>
      %dma_start3A_153 = arith.constant 0 : i32
      %dma_start3A_154 = tpu.memref_slice %arg10[%mul3A_2, %dma_start3A_153] : memref<4096x84xf32, #tpu.memory_space<hbm>> -> memref<128x84xf32, #tpu.memory_space<hbm>>
      tpu.enqueue_dma source(%arg22 : memref<128x84xf32, #tpu.memory_space<vmem>>) target(%dma_start3A_154 : memref<128x84xf32, #tpu.memory_space<hbm>>) target_semaphore(%run_scoped3A : memref<!tpu.dma_semaphore, #tpu.memory_space<semaphore_mem>>)
      %dma_wait3A_155 = arith.constant 0 : i32
      %dma_wait3A_156 = tpu.memref_slice %arg10[%mul3A_2, %dma_wait3A_155] : memref<4096x84xf32, #tpu.memory_space<hbm>> -> memref<128x84xf32, #tpu.memory_space<hbm>>
      %dma_wait3A_157 = arith.constant 0 : i32
      %dma_wait3A_158 = tpu.memref_slice %arg10[%mul3A_2, %dma_wait3A_157] : memref<4096x84xf32, #tpu.memory_space<hbm>> -> memref<128x84xf32, #tpu.memory_space<hbm>>
      tpu.wait_dma2 semaphore(%run_scoped3A : memref<!tpu.dma_semaphore, #tpu.memory_space<semaphore_mem>>) src(%arg22 : memref<128x84xf32, #tpu.memory_space<vmem>>) dst(%dma_wait3A_158 : memref<128x84xf32, #tpu.memory_space<hbm>>)
      tpu.yield
    }) : () -> ()
    return
  }
}

</mosaic_0001>

<sc_bundles>
// kernel: kernel.3.cloned.1.call-start
scs
__scs_entry_jumppad:
0x0: {  	(pc) =	sbr.rel $0x88, $3  }
0x1: {  	(tag) =	ssettag $0x0;
	lr =	simm.s32 $0x1  }
0x2: {  	[smem:$0x3F99] =	sst lr;
	_ =	strace $0xD0000000  }
0x3: {  	_ = 	snop  }
0x4: {  	_ = 	snop  }
0x5: {  	_ = 	snop  }
0x6: {  	_ = 	snop  }
0x7: {  	_ = 	snop  }
__scs_overlays_trampoline_lowered:
0x8: {  	[smem:$0x3FA8] =	sst s0  }
0x9: {  	[smem:$0x3FA9] =	sst s1  }
0xa: {  	[smem:$0x3FAA] =	sst s2  }
0xb: {  	[smem:$0x3FAB] =	sst s3  }
0xc: {  	[smem:$0x3FAC] =	sst s4  }
0xd: {  	[smem:$0x3FAD] =	sst s5  }
0xe: {  	[smem:$0x3FAE] =	sst s6  }
0xf: {  	[smem:$0x3FAF] =	sst s7  }
0x10: {  	[smem:$0x3FB0] =	sst s8  }
0x11: {  	[smem:$0x3FB1] =	sst s9;
	s0 =	simm.s32 @!p0 $0x0  }
0x12: {  	s1 =	sld [smem:$0x3F97];
	s0 =	simm.s32 @p0 $0x1  }
0x13: {  	[smem:$0x3FB2] =	sst s0;
	s0 =	simm.s32 @!p1 $0x0  }
0x14: {  	s2 =	sld [smem:$0x3F96];
	s0 =	simm.s32 @p1 $0x1  }
0x15: {  	[smem:$0x3FB3] =	sst s0;
	s0 =	simm.s32 @!p2 $0x0  }
0x16: {  	s3 =	sld [smem:$0x3FDB];
	s0 =	simm.s32 @p2 $0x1  }
0x17: {  	s4 =	simm.s32 $0x1BF5;
	[smem:$0x3FB5] =	sst s0  }
0x18: {  	s0 =	sld [smem:$0x3F98];
	_ =	swait.ge [sflag:s4], $0x0  }
0x19: {  	s7 =	sld [smem:$0x3F99]  }
0x1a: {  	s8 =	sadd.s32 $0xFFFFE003, lr  }
0x1b: {  	s9 =	sadd.s32 $0xFFFFFEF7, lr;
	s5 =	simm.s32 $0xFFFFFFFF;
	p2 =	slt.u32 s8, $0xFFFFF086  }
0x1c: {  	p1 =	slt.u32 s9, $0xF7A;
	s5 =	simm.s32 @!p2 $0x0  }
0x1d: {  	s5 =	simm.s32 @p1 $0x1;
	p0 =	seq.s32 s7, s2  }
0x1e: {  	s7 =	smul.u32 @!p0 $0xF7A, s2;
	p2 =	seq.s32 @!p0 s5, $0x0  }
0x1f: {  	s9 =	smul.u32 $0xF7A, s1;
	s8 =	simm.s32 @!p0 $0x1BF5;
	p2 =	por !p2, p0  }
0x20: {  	[sflag:s8] =	ssyncset.s32 @!p0 $0xFFFFF086;
	s6 =	sadd.s32 @!p0 s3, s7;
	s7 =	simm.s32 @!p0 $0x108  }
0x21: {  	s3 =	sadd.s32 s3, s9;
	s6 =	sadd.s32 @!p0 $0x88, s6;
	s7 =	simm.s32 @p2 $0x1082  }
0x22: {  	[simem:s7], [sflag:s8] =	dma.local @!p0 [hbm:s6], $0xF7A  }
0x23: {  	s9 =	sor.u32 $0xD0000000, s2;
	s6 =	simm.s32 $0x108;
	_ =	swait.ge @!p0 [sflag:s8], $0x0  }
0x24: {  	s3 =	sadd.s32 $0x88, s3;
	s6 =	simm.s32 @!p1 $0x1082;
	[sflag:s4] =	ssyncset.s32 $0xFFFFF086  }
0x25: {  	[simem:s6], [sflag:s4] =	dma.local [hbm:s3], $0xF7A  }
0x26: {  	[smem:$0x3F99] =	sst s1;
	(tag) =	ssettag s2;
	_ =	strace s9  }
0x27: {  	s1 =	sld [smem:$0x3FA9]  }
0x28: {  	s2 =	sld [smem:$0x3FAA]  }
0x29: {  	s4 =	sld [smem:$0x3FAC]  }
0x2a: {  	p0 =	seq.s32 s5, $0x0;
	s5 =	sld [smem:$0x3FAD]  }
0x2b: {  	s6 =	sld [smem:$0x3FAE]  }
0x2c: {  	s7 =	sld [smem:$0x3FAF]  }
0x2d: {  	s3 =	simm.s32 $0x108;
	s8 =	sld [smem:$0x3FB0]  }
0x2e: {  	s3 =	simm.s32 @!p0 $0x1082;
	s9 =	sld [smem:$0x3FB1]  }
0x2f: {  	lr =	sadd.s32 s0, s3;
	s0 =	sld [smem:$0x3FA8]  }
0x30: {  	s3 =	sld [smem:$0x3FAB]  }
0x31: {  	[smem:$0x3FB4] =	sst s10  }
0x32: {  	s10 =	sld [smem:$0x3FB2];
	_ =	sdelay $0x3  }
0x33: {  	p0 =	seq.s32 s10, $0x1;
	s10 =	sld [smem:$0x3FB4];
	_ =	sdelay $0x3  }
0x34: {  	[smem:$0x3FB4] =	sst s10  }
0x35: {  	s10 =	sld [smem:$0x3FB3];
	_ =	sdelay $0x3  }
0x36: {  	p1 =	seq.s32 s10, $0x1;
	s10 =	sld [smem:$0x3FB4];
	_ =	sdelay $0x3  }
0x37: {  	[smem:$0x3FB4] =	sst s10  }
0x38: {  	s10 =	sld [smem:$0x3FB5]  }
0x39: {  	_ = 	snop;
	(pc) =	sbr.ind lr, $3  }
0x3a: {  	_ = 	snop  }
0x3b: {  	_ = 	snop  }
0x3c: {  	p2 =	seq.s32 s10, $0x1;
	s10 =	sld [smem:$0x3FB4]  }
0x3d: {  	_ =	shalt  }
0x3e: {  	_ =	shalt  }
0x3f: {  	_ =	shalt  }
0x40: {  	_ =	shalt  }
0x41: {  	_ =	shalt  }
0x42: {  	_ =	shalt  }
0x43: {  	_ =	shalt  }
0x44: {  	_ =	shalt  }
0x45: {  	_ =	shalt  }
0x46: {  	_ =	shalt  }
0x47: {  	_ =	shalt  }
0x48: {  	_ =	shalt  }
0x49: {  	_ =	shalt  }
0x4a: {  	_ =	shalt  }
0x4b: {  	_ =	shalt  }
0x4c: {  	_ =	shalt  }
0x4d: {  	_ =	shalt  }
0x4e: {  	_ =	shalt  }
0x4f: {  	_ =	shalt  }
0x50: {  	_ =	shalt  }
0x51: {  	_ =	shalt  }
0x52: {  	_ =	shalt  }
0x53: {  	_ =	shalt  }
0x54: {  	_ =	shalt  }
0x55: {  	_ =	shalt  }
0x56: {  	_ =	shalt  }
0x57: {  	_ =	shalt  }
0x58: {  	_ =	shalt  }
0x59: {  	_ =	shalt  }
0x5a: {  	_ =	shalt  }
0x5b: {  	_ =	shalt  }
0x5c: {  	_ =	shalt  }
0x5d: {  	_ =	shalt  }
0x5e: {  	_ =	shalt  }
0x5f: {  	_ =	shalt  }
0x60: {  	_ =	shalt  }
0x61: {  	_ =	shalt  }
0x62: {  	_ =	shalt  }
0x63: {  	_ =	shalt  }
0x64: {  	_ =	shalt  }
0x65: {  	_ =	shalt  }
0x66: {  	_ =	shalt  }
0x67: {  	_ =	shalt  }
0x68: {  	_ =	shalt  }
0x69: {  	_ =	shalt  }
0x6a: {  	_ =	shalt  }
0x6b: {  	_ =	shalt  }
0x6c: {  	_ =	shalt  }
0x6d: {  	_ =	shalt  }
0x6e: {  	_ =	shalt  }
0x6f: {  	_ =	shalt  }
0x70: {  	_ =	shalt  }
0x71: {  	_ =	shalt  }
0x72: {  	_ =	shalt  }
0x73: {  	_ =	shalt  }
0x74: {  	_ =	shalt  }
0x75: {  	_ =	shalt  }
0x76: {  	_ =	shalt  }
0x77: {  	_ =	shalt  }
0x78: {  	_ =	shalt  }
0x79: {  	_ =	shalt  }
0x7a: {  	_ =	shalt  }
0x7b: {  	_ =	shalt  }
0x7c: {  	_ =	shalt  }
0x7d: {  	_ =	shalt  }
0x7e: {  	_ =	shalt  }
0x7f: {  	_ =	shalt  }
0x80: {  	_ =	shalt  }
0x81: {  	_ =	shalt  }
0x82: {  	_ =	shalt  }
0x83: {  	_ =	shalt  }
0x84: {  	_ =	shalt  }
0x85: {  	_ =	shalt  }
0x86: {  	_ =	shalt  }
0x87: {  	_ =	shalt  }
.Lfunc_end0:
.L_simem_size_0:
called_computation_lowered:
.L_overlay_start_0:
0x88: {  	s2 =	sld [smem:$0x3FD9]  }
0x89: {  	s3 =	sld [smem:$0x3FFE];
	_ =	sdelay $0x1  }
0x8a: {  	s1 =	srdreg.scid  }
0x8b: {  	s0 =	sand.u32 $0x1, s1  }
0x8c: {  	s14 =	sshll.u32 s0, $0xA;
	s2 =	sadd.s32 s3, s2  }
0x8d: {  	s2 =	sadd.s32 s2, s14  }
0x8e: {  	[smem:$0x3FC0] =	sst s2  }
0x8f: {  	_ = 	snop  }
0x90: {  	s2 =	sld [smem:$0x3FD0];
	_ =	sdelay $0x2  }
0x91: {  	s15 =	simm.s32 $0xA;
	s4 =	simm.s32 $0x10  }
0x92: {  	[smem:s4], [sflag:s15] =	dma.local [hbm:s2], $0x1  }
0x93: {  	_ =	swait.eq [sflag:s15], $0x1  }
0x94: {  	s16 =	sld [smem:$0x10];
	[sflag:s15] =	ssyncset.done $0x0  }
0x95: {  	s17 =	sld [smem:$0x11];
	[sflag:s15] =	ssyncadd.s32 $0xFFFFFFFF  }
0x96: {  	s18 =	sld [smem:$0x12];
	(tm) =	ssettm $0x1  }
0x97: {  	s5 =	sld [smem:$0x3FFB];
	_ =	sdelay $0x3  }
0x98: {  	_ =	strace s5  }
0x99: {  	s5 =	sld [smem:$0x3FFC];
	_ =	sdelay $0x3  }
0x9a: {  	_ =	strace s5  }
0x9b: {  	s5 =	sld [smem:$0x3FFD];
	_ =	sdelay $0x3  }
0x9c: {  	_ =	strace s5  }
0x9d: {  	_ =	strace $0x8FFFFFFF  }
0x9e: {  	s19 =	sld [smem:$0x3FDB];
	_ =	sdelay $0x1  }
0x9f: {  	s6 =	simm.s32 $_scs_section_size  }
0xa0: {  	s7 =	simm.s32 $_size__tile_overlayer_lowered;
	s8 =	simm.s32 $_tile_overlayer_lowered  }
0xa1: {  	s22 =	simm.s32 $0x1BFF;
	s21 =	sshll.u32 s8, $0x1;
	s5 =	sadd.s32 s6, s19  }
0xa2: {  	s9 =	simm.s32 $0x0;
	s20 =	sshll.u32 s7, $0x1;
	s7 =	sadd.s32 s21, s5  }
0xa3: {  	[timem:s9], [sflag:s22] =	dma.local [hbm:s7], s20  }
0xa4: {  	_ =	swait.ge [sflag:s22], s20  }
0xa5: {  	s6 =	ssub.s32 $0x0, s20;
	[sflag:s22] =	ssyncset.done $0x0  }
0xa6: {  	[sflag:s22] =	ssyncadd.s32 s6;
	_ =	sdelay $0x1  }
0xa7: {  	s23 =	simm.s32 $0x1B8B  }
0xa8: {  	_ =	swait.ge [sflag:s23], $0x1  }
0xa9: {  	[sflag:s23] =	ssyncset.done $0x0  }
0xaa: {  	s25 =	simm.s32 $0x1B8E;
	s24 =	sld [smem:$0x3FFE];
	[sflag:s23] =	ssyncadd.s32 $0xFFFFFFFF  }
0xab: {  	s26 =	simm.s32 $execute0_lowered;
	[smem:$0x3FD2] =	sst s25  }
0xac: {  	s7 =	sshll.u32 s26, $0x1;
	_ =	strace $0x80000046;
	[dreg:$0x1] =	wrdreg $0xFFFFFFFF  }
0xad: {  	s28 =	simm.s32 $_size_execute0_lowered;
	s5 =	sadd.s32 s5, s7;
	[dreg:$0x0] =	wrdreg $0x0  }
0xae: {  	s7 =	sshll.u32 s28, $0x1;
	[dreg:$0x2] =	wrdreg s5  }
0xaf: {  	[dreg:$0x3] =	wrdreg s7  }
0xb0: {  	[dreg:$0x4] =	wrdreg $0xC0  }
0xb1: {  	_ =	task [dreg:s9], $0x5FFFF  }
0xb2: {  	[dreg:$0x1] =	wrdreg $0xFFFFFFFF  }
0xb3: {  	[dreg:$0x0] =	wrdreg $0x60  }
0xb4: {  	[dreg:$0x2] =	wrdreg s18  }
0xb5: {  	[dreg:$0x3] =	wrdreg s24  }
0xb6: {  	[dreg:$0x4] =	wrdreg s16  }
0xb7: {  	[dreg:$0x5] =	wrdreg s17  }
0xb8: {  	[dreg:$0x6] =	wrdreg $0x9  }
0xb9: {  	_ =	task.clear_ibuf [dreg:s9], $0x7FFFF;
	_ =	strace $0x90000046  }
0xba: {  	s29 =	simm.s32 $0x9;
	_ =	strace $0x80000048  }
0xbb: {  	_ =	swait.ge [sflag:s29], $0x1  }
0xbc: {  	[sflag:s29] =	ssyncadd.s32 $0xFFFFFFFF  }
0xbd: {  	_ =	strace $0x90000048  }
0xbe: {  	_ =	sfence  }
0xbf: {  	s30 =	sld [smem:$0x0];
	_ =	sdelay $0x2  }
0xc0: {  	s31 =	sshll.u32 s1, $0xD;
	s1 =	sshrl.u32 s1, $0x2  }
0xc1: {  	s3 =	sand.u32 $0x4000, s31;
	s1 =	sadd.s32 s1, s30  }
0xc2: {  	s0 =	sor.u32 s3, s0;
	s1 =	sshll.u32 s1, $0x11  }
0xc3: {  	s0 =	sor.u32 s1, s0  }
0xc4: {  	s0 =	sadd.s32 $0x8F2B, s0  }
0xc5: {  	[sflag:s0] =	ssyncadd.remote.s32 $0x1  }
0xc6: {  	_ =	sfence.sel $0xFFFF  }
0xc7: {  	[dreg:$0x0] =	wrdreg $0xFFFFFFFF;
	(pc) =	sbr.abs _section_cstart, $3  }
0xc8: {  	[dreg:$0x1] =	wrdreg $0xFFFFFFFF  }
0xc9: {  	_ =	task.clear_ibuf [dreg:s9], $0x2FFFF;
	_ =	strace $0x9FFFFFFF  }
0xca: {  	(tm) =	ssettm $0x7FFFFFFF  }
0xcb: {  	_ =	shalt  }
tec
execute0_lowered:
.L_overlay_start_1:
0x0: {  	(tag) =	ssettag $0x1  }
0x1: {  	s6 =	rddreg [dreg:$0x0]  }
0x2: {  	s5 =	rddreg [dreg:$0x1]  }
0x3: {  	s10 =	rddreg [dreg:$0x2]  }
0x4: {  	s11 =	rddreg [dreg:$0x3];
	s2 =	srdreg.scid  }
0x5: {  	s0 =	rddreg [dreg:$0x4];
	s1 =	stileid.u32  }
0x6: {  	s16 =	simm.s32 $0x80;
	s17 =	simm.s32 $0x800;
	s18 =	simm.s32 $0x1D80  }
0x7: {  	s19 =	simm.s32 $0x880;
	s20 =	simm.s32 $0x1180;
	s21 =	simm.s32 $0x900  }
0x8: {  	s22 =	simm.s32 $0x3580;
	s23 =	simm.s32 $0x1;
	s24 =	simm.s32 $0x5580  }
0x9: {  	s25 =	simm.s32 $0x2;
	s26 =	simm.s32 $0x7580;
	s28 =	simm.s32 $0x0  }
0xa: {  	s3 =	sand.u32 $0x1, s2;
	s2 =	simm.s32 $0x0;
	s4 =	sshll.u32 s1, $0x8  }
0xb: {  	v0 =	vlaneseq.u32;
	s7 =	sshll.u32 s3, $0x7;
	[smem:$0x7FF] =	sst s2;
	s13 =	ssub.s32 $0x2, s3  }
0xc: {  	v1 =	vmul.u32 $0x8, v0;
	v17 =	vadd.s32 $0xA, v0;
	v18 =	vadd.s32 $0x1A, v0;
	s3 =	sadd.s32 $0x24C600, s5;
	s12 =	sor.u32 s7, s4;
	_ =	strace $0x80000047  }
0xd: {  	v19 =	vadd.s32 $0x2A, v0;
	v20 =	vadd.s32 $0x4, v0;
	v21 =	vadd.s32 $0x14, v0;
	s31 =	sshrl.u32 s13, $0x1;
	s4 =	sshll.u32 s12, $0x1;
	s7 =	smul.u32 $0x3, s12  }
0xe: {  	v22 =	vadd.s32 $0x24, v0;
	v23 =	vadd.s32 $0x34, v0;
	v24 =	vadd.s32 $0x44, v0;
	s8 =	sadd.s32 s12, s5;
	s13 =	ssub.s32 s13, s31;
	s6 =	sadd.s32 s6, s12  }
0xf: {  	v2 =	vor.u32 $0x1, v1;
	v3 =	vor.u32 $0x80, v1;
	v4 =	vor.u32 $0x81, v1;
	s15 =	smul.u32 $0xB, s12;
	s12 =	sshll.u32 s12, $0x3;
	s9 =	sadd.s32 s4, s5  }
0x10: {  	v5 =	vor.u32 $0x100, v1;
	v6 =	vor.u32 $0x101, v1;
	v7 =	vor.u32 $0x180, v1;
	s4 =	sadd.s32 $0x8600, s5;
	s10 =	sadd.s32 s10, s12;
	s12 =	smax.u32 s13, $0x1  }
0x11: {  	v8 =	vor.u32 $0x181, v1;
	v9 =	vor.u32 $0x200, v1;
	v10 =	vor.u32 $0x201, v1;
	s13 =	simm.s32 $0x3;
	s14 =	sadd.s32 s7, s5;
	s5 =	sadd.s32 $0x189000, s5  }
0x12: {  	v11 =	vor.u32 $0x280, v1;
	v12 =	vor.u32 $0x281, v1;
	v13 =	vor.u32 $0x300, v1;
	s7 =	sadd.s32 $0x7600, s8;
	s8 =	sadd.s32 $0x5600, s9;
	s11 =	sadd.s32 s11, s15  }
0x13: {  	v14 =	vor.u32 $0x301, v1;
	v15 =	vor.u32 $0x380, v1;
	v16 =	vor.u32 $0x381, v1;
	s15 =	simm.s32 $0x980;
	s9 =	sadd.s32 $0x2600, s14;
	s14 =	simm.s32 $0x400  }
.LBB2_1:
0x14: {  	[tilespmem:s2], [sflag:$0x3] =	stream.linear.gather [hbm4b:s6+s2], $0x400, $0x38;
	[tilespmem:$0xA180] =	vst v63  }
0x15: {  	_ =	swait.ge [sflag:s13], $0x400  }
0x16: {  	[sflag:s13] =	ssyncset.done $0x0  }
0x17: {  	[sflag:s13] =	ssyncadd.s32 $0xFFFFFC00  }
0x18: {  	[tilespmem:s14], [sflag:$0x3] =	stream.linear.gather [hbm4b:s7+s2], $0x400, $0x38;
	[tilespmem:$0xA180] =	vst v63  }
0x19: {  	_ =	swait.ge [sflag:s13], $0x400  }
0x1a: {  	[sflag:s13] =	ssyncset.done $0x0  }
0x1b: {  	[sflag:s13] =	ssyncadd.s32 $0xFFFFFC00  }
0x1c: {  	v25 =	vld.idx.msk [tilespmem:v1+s2+$0x0], $0xffff;
	_ =	sdelay $0x4  }
0x1d: {  	[tilespmem:$0x800] =	vst v25  }
0x1e: {  	v25 =	vld.idx.msk [tilespmem:v2+s2+$0x0], $0xffff;
	_ =	sdelay $0x4  }
0x1f: {  	[tilespmem:$0x880] =	vst v25  }
0x20: {  	v25 =	vld.idx.msk [tilespmem:v1+s14+$0x0], $0xffff;
	_ =	sdelay $0x4  }
0x21: {  	[tilespmem:$0x900] =	vst v25  }
0x22: {  	v25 =	vld.idx.msk [tilespmem:v3+s2+$0x0], $0xffff;
	_ =	sdelay $0x4  }
0x23: {  	[tilespmem:$0x810] =	vst v25  }
0x24: {  	v25 =	vld.idx.msk [tilespmem:v4+s2+$0x0], $0xffff;
	_ =	sdelay $0x4  }
0x25: {  	[tilespmem:$0x890] =	vst v25  }
0x26: {  	v25 =	vld.idx.msk [tilespmem:v3+s14+$0x0], $0xffff;
	_ =	sdelay $0x4  }
0x27: {  	[tilespmem:$0x910] =	vst v25  }
0x28: {  	v25 =	vld.idx.msk [tilespmem:v5+s2+$0x0], $0xffff;
	_ =	sdelay $0x4  }
0x29: {  	[tilespmem:$0x820] =	vst v25  }
0x2a: {  	v25 =	vld.idx.msk [tilespmem:v6+s2+$0x0], $0xffff;
	_ =	sdelay $0x4  }
0x2b: {  	[tilespmem:$0x8A0] =	vst v25  }
0x2c: {  	v25 =	vld.idx.msk [tilespmem:v5+s14+$0x0], $0xffff;
	_ =	sdelay $0x4  }
0x2d: {  	[tilespmem:$0x920] =	vst v25  }
0x2e: {  	v25 =	vld.idx.msk [tilespmem:v7+s2+$0x0], $0xffff;
	_ =	sdelay $0x4  }
0x2f: {  	[tilespmem:$0x830] =	vst v25  }
0x30: {  	v25 =	vld.idx.msk [tilespmem:v8+s2+$0x0], $0xffff;
	_ =	sdelay $0x4  }
0x31: {  	[tilespmem:$0x8B0] =	vst v25  }
0x32: {  	v25 =	vld.idx.msk [tilespmem:v7+s14+$0x0], $0xffff;
	_ =	sdelay $0x4  }
0x33: {  	[tilespmem:$0x930] =	vst v25  }
0x34: {  	v25 =	vld.idx.msk [tilespmem:v9+s2+$0x0], $0xffff;
	_ =	sdelay $0x4  }
0x35: {  	[tilespmem:$0x840] =	vst v25  }
0x36: {  	v25 =	vld.idx.msk [tilespmem:v10+s2+$0x0], $0xffff;
	_ =	sdelay $0x4  }
0x37: {  	[tilespmem:$0x8C0] =	vst v25  }
0x38: {  	v25 =	vld.idx.msk [tilespmem:v9+s14+$0x0], $0xffff;
	_ =	sdelay $0x4  }
0x39: {  	[tilespmem:$0x940] =	vst v25  }
0x3a: {  	v25 =	vld.idx.msk [tilespmem:v11+s2+$0x0], $0xffff;
	_ =	sdelay $0x4  }
0x3b: {  	[tilespmem:$0x850] =	vst v25  }
0x3c: {  	v25 =	vld.idx.msk [tilespmem:v12+s2+$0x0], $0xffff;
	_ =	sdelay $0x4  }
0x3d: {  	[tilespmem:$0x8D0] =	vst v25  }
0x3e: {  	v25 =	vld.idx.msk [tilespmem:v11+s14+$0x0], $0xffff;
	_ =	sdelay $0x4  }
0x3f: {  	[tilespmem:$0x950] =	vst v25  }
0x40: {  	v25 =	vld.idx.msk [tilespmem:v13+s2+$0x0], $0xffff;
	_ =	sdelay $0x4  }
0x41: {  	[tilespmem:$0x860] =	vst v25  }
0x42: {  	v25 =	vld.idx.msk [tilespmem:v14+s2+$0x0], $0xffff;
	_ =	sdelay $0x4  }
0x43: {  	[tilespmem:$0x8E0] =	vst v25  }
0x44: {  	v25 =	vld.idx.msk [tilespmem:v13+s14+$0x0], $0xffff;
	_ =	sdelay $0x4  }
0x45: {  	[tilespmem:$0x960] =	vst v25  }
0x46: {  	v25 =	vld.idx.msk [tilespmem:v15+s2+$0x0], $0xffff;
	_ =	sdelay $0x4  }
0x47: {  	[tilespmem:$0x870] =	vst v25  }
0x48: {  	v25 =	vld.idx.msk [tilespmem:v16+s2+$0x0], $0xffff;
	_ =	sdelay $0x4  }
0x49: {  	[tilespmem:$0x8F0] =	vst v25  }
0x4a: {  	v25 =	vld.idx.msk [tilespmem:v15+s14+$0x0], $0xffff;
	_ =	sdelay $0x4  }
0x4b: {  	[tilespmem:$0x970] =	vst v25  }
0x4c: {  	[tilespmem:s15], [sflag:$0x1] =	stream.linear.gather [hbm4b:s8+s2], $0x800, $0x38;
	[tilespmem:$0xA180] =	vst v63  }
0x4d: {  	_ = 	snop  }
0x4e: {  	[tilespmem:s18], [sflag:$0x1] =	stream.indirect.gather [hbm4b:s3+s16], $0x20, s17, s16, $0xb8;
	[tilespmem:$0xA180] =	vst v63  }
0x4f: {  	s29 =	simm.s32 $0x2D80  }
0x50: {  	[tilespmem:s29], [sflag:$0x1] =	stream.indirect.gather [hbm4b:s4+s16], $0x10, s19, s16, $0xb8;
	[tilespmem:$0xA180] =	vst v63  }
0x51: {  	_ = 	snop  }
0x52: {  	[tilespmem:s20], [sflag:$0x2] =	stream.linear.gather [hbm4b:s9+s2], $0xC00, $0x38;
	[tilespmem:$0xA180] =	vst v63  }
0x53: {  	_ = 	snop  }
0x54: {  	[tilespmem:s22], [sflag:$0x2] =	stream.indirect.gather [hbm4b:s5+s16], $0x40, s21, s16, $0xb8;
	[tilespmem:$0xA180] =	vst v63  }
0x55: {  	_ =	swait.ge [sflag:s23], $0x800  }
0x56: {  	[sflag:s23] =	ssyncset.done $0x0  }
0x57: {  	v25 =	vmov s2;
	[sflag:s23] =	ssyncadd.s32 $0xFFFFF800  }
0x58: {  	v26 =	vshll.u32 v25, $0x4;
	_ =	swait.ge [sflag:s23], $0x1000  }
0x59: {  	v26 =	vor.u32 v0, v26;
	[sflag:s23] =	ssyncset.done $0x0  }
0x5a: {  	[sflag:s23] =	ssyncadd.s32 $0xFFFFF000  }
0x5b: {  	_ =	swait.ge [sflag:s23], $0x800  }
0x5c: {  	[sflag:s23] =	ssyncset.done $0x0  }
0x5d: {  	v25 =	vshll.u32 v25, $0x6;
	[sflag:s23] =	ssyncadd.s32 $0xFFFFF800  }
0x5e: {  	v27 =	vor.u32 v0, v25;
	v26 =	vld.idx.msk [tilespmem:v26+s15+$0x0], $0x3ff;
	_ =	sdelay $0x4  }
0x5f: {  	s30 =	simm.s32 $0x1D90;
	[tilespmem:v27+s24+$0x0] =	vst.idx.msk $0x3ff, v26  }
0x60: {  	v27 =	vor.u32 v17, v25;
	v26 =	vld [tilespmem:s30+$0xFFFFFFF0];
	_ =	sdelay $0x4  }
0x61: {  	[tilespmem:v27+s24+$0x0] =	vst.idx.msk $0xffff, v26  }
0x62: {  	v28 =	vor.u32 v18, v25;
	v27 =	vld [tilespmem:s30+$0x0];
	_ =	sdelay $0x3  }
0x63: {  	s31 =	simm.s32 $0x1  }
0x64: {  	v26 =	vmov s31;
	s31 =	simm.s32 $0x2;
	[tilespmem:v28+s24+$0x0] =	vst.idx.msk $0xffff, v27  }
.LBB2_2:
0x65: {  	p0 =	sne.s32 s31, $0x7F;
	v27 =	vshll.u32 v26, $0x4;
	v28 =	vld [tilespmem:s29+$0x0];
	v25 =	vor.u32 v19, v25  }
0x66: {  	v27 =	vor.u32 v0, v27;
	_ =	sdelay $0x3  }
0x67: {  	[tilespmem:v25+s24+$0x0] =	vst.idx.msk $0xffff, v28  }
0x68: {  	v25 =	vshll.u32 v26, $0x6;
	v27 =	vld.idx.msk [tilespmem:v27+s15+$0x0], $0x3ff  }
0x69: {  	v26 =	vor.u32 v0, v25;
	_ =	sdelay $0x4  }
0x6a: {  	s30 =	sadd.s32 $0x20, s30;
	[tilespmem:v26+s24+$0x0] =	vst.idx.msk $0x3ff, v27  }
0x6b: {  	v27 =	vor.u32 v17, v25;
	v26 =	vld [tilespmem:s30+$0xFFFFFFF0];
	_ =	sdelay $0x4  }
0x6c: {  	[tilespmem:v27+s24+$0x0] =	vst.idx.msk $0xffff, v26  }
0x6d: {  	v28 =	vor.u32 v18, v25;
	v27 =	vld [tilespmem:s30+$0x0]  }
.Ltmp0:
0x6e: {  	(pc) =	sbr.rel @p0 .LBB2_2-.Ltmp0, $2  }
0x6f: {  	_ =	sdelay $0x2  }
0x70: {  	s29 =	sadd.s32 $0x10, s29;
	v26 =	vmov s31;
	s31 =	sadd.s32 $0x1, s31;
	[tilespmem:v28+s24+$0x0] =	vst.idx.msk $0xffff, v27  }
0x71: {  	v27 =	vshll.u32 v26, $0x4;
	v28 =	vld [tilespmem:s29+$0x0];
	v25 =	vor.u32 v19, v25  }
0x72: {  	v27 =	vor.u32 v0, v27;
	_ =	sdelay $0x3  }
0x73: {  	[tilespmem:v25+s24+$0x0] =	vst.idx.msk $0xffff, v28;
	v25 =	vshll.u32 v26, $0x6  }
0x74: {  	v26 =	vld.idx.msk [tilespmem:v27+s15+$0x0], $0x3ff;
	v27 =	vor.u32 v0, v25;
	_ =	sdelay $0x4  }
0x75: {  	s30 =	sadd.s32 $0x20, s30;
	[tilespmem:v27+s24+$0x0] =	vst.idx.msk $0x3ff, v26  }
0x76: {  	v27 =	vor.u32 v17, v25;
	v26 =	vld [tilespmem:s30+$0xFFFFFFF0];
	_ =	sdelay $0x4  }
0x77: {  	[tilespmem:v27+s24+$0x0] =	vst.idx.msk $0xffff, v26  }
0x78: {  	v27 =	vor.u32 v18, v25;
	v26 =	vld [tilespmem:s30+$0x0];
	_ =	sdelay $0x4  }
0x79: {  	s29 =	sadd.s32 $0x10, s29;
	[tilespmem:v27+s24+$0x0] =	vst.idx.msk $0xffff, v26  }
0x7a: {  	v25 =	vor.u32 v19, v25;
	v26 =	vld [tilespmem:s29+$0x0];
	_ =	sdelay $0x3  }
0x7b: {  	s29 =	simm.s32 $0x0  }
0x7c: {  	[tilespmem:v25+s24+$0x0] =	vst.idx.msk $0xffff, v26;
	v25 =	vmov s29  }
0x7d: {  	[hbm4b:s10+s29] =	stream.linear.scatter [tilespmem:s24], [sflag:$0x1], $0x2000, $0x38;
	v26 =	vmul.u32 $0x18, v25;
	[tilespmem:$0xA180] =	vst v63  }
0x7e: {  	_ =	swait.ge [sflag:s25], $0xC00  }
0x7f: {  	[sflag:s25] =	ssyncset.done $0x0;
	v27 =	vadd.s32 v0, v26  }
0x80: {  	[sflag:s25] =	ssyncadd.s32 $0xFFFFF400  }
0x81: {  	_ =	swait.ge [sflag:s25], $0x2000  }
0x82: {  	v25 =	vmul.u32 $0x58, v25;
	[sflag:s25] =	ssyncset.done $0x0  }
0x83: {  	[sflag:s25] =	ssyncadd.s32 $0xFFFFE000  }
0x84: {  	v28 =	vadd.s32 v0, v25;
	v27 =	vld.idx.msk [tilespmem:v27+s20+$0x0], $0xffff  }
0x85: {  	v26 =	vadd.s32 v20, v26;
	_ =	sdelay $0x3  }
0x86: {  	[tilespmem:v28+s26+$0x0] =	vst.idx.msk $0xffff, v27  }
0x87: {  	v27 =	vadd.s32 v20, v25;
	v26 =	vld.idx.msk [tilespmem:v26+s20+$0x0], $0xffff;
	_ =	sdelay $0x4  }
0x88: {  	s29 =	simm.s32 $0x35A0;
	[tilespmem:v27+s26+$0x0] =	vst.idx.msk $0xffff, v26  }
0x89: {  	v27 =	vadd.s32 v21, v25;
	v26 =	vld [tilespmem:s29+$0xFFFFFFE0];
	_ =	sdelay $0x4  }
0x8a: {  	[tilespmem:v27+s26+$0x0] =	vst.idx.msk $0xffff, v26  }
0x8b: {  	v27 =	vadd.s32 v22, v25;
	v26 =	vld [tilespmem:s29+$0xFFFFFFF0];
	_ =	sdelay $0x4  }
0x8c: {  	[tilespmem:v27+s26+$0x0] =	vst.idx.msk $0xffff, v26  }
0x8d: {  	v28 =	vadd.s32 v23, v25;
	v27 =	vld [tilespmem:s29+$0x0];
	_ =	sdelay $0x2  }
0x8e: {  	s30 =	simm.s32 $0x1  }
0x8f: {  	v26 =	vmov s30;
	s30 =	simm.s32 $0x2  }
.LBB2_4:
0x90: {  	p0 =	sne.s32 s30, $0x7F;
	v29 =	vmul.u32 $0x18, v26;
	[tilespmem:v28+s26+$0x0] =	vst.idx.msk $0xffff, v27  }
0x91: {  	v28 =	vadd.s32 v24, v25;
	v27 =	vld [tilespmem:s29+$0x10]  }
0x92: {  	v30 =	vadd.s32 v0, v29;
	_ =	sdelay $0x3  }
0x93: {  	v25 =	vmul.u32 $0x58, v26;
	[tilespmem:v28+s26+$0x0] =	vst.idx.msk $0xffff, v27  }
0x94: {  	v26 =	vld.idx.msk [tilespmem:v30+s20+$0x0], $0xffff  }
0x95: {  	v27 =	vadd.s32 v0, v25  }
0x96: {  	v28 =	vadd.s32 v20, v29;
	_ =	sdelay $0x3  }
0x97: {  	[tilespmem:v27+s26+$0x0] =	vst.idx.msk $0xffff, v26  }
0x98: {  	v26 =	vld.idx.msk [tilespmem:v28+s20+$0x0], $0xffff  }
0x99: {  	v27 =	vadd.s32 v20, v25;
	_ =	sdelay $0x4  }
0x9a: {  	s29 =	sadd.s32 $0x40, s29;
	[tilespmem:v27+s26+$0x0] =	vst.idx.msk $0xffff, v26  }
0x9b: {  	v27 =	vadd.s32 v21, v25;
	v26 =	vld [tilespmem:s29+$0xFFFFFFE0];
	_ =	sdelay $0x4  }
0x9c: {  	[tilespmem:v27+s26+$0x0] =	vst.idx.msk $0xffff, v26  }
0x9d: {  	v27 =	vadd.s32 v22, v25;
	v26 =	vld [tilespmem:s29+$0xFFFFFFF0];
	_ =	sdelay $0x4  }
0x9e: {  	[tilespmem:v27+s26+$0x0] =	vst.idx.msk $0xffff, v26  }
.Ltmp1:
0x9f: {  	v28 =	vadd.s32 v23, v25;
	v27 =	vld [tilespmem:s29+$0x0];
	(pc) =	sbr.rel @p0 .LBB2_4-.Ltmp1, $2  }
0xa0: {  	_ =	sdelay $0x2  }
0xa1: {  	v26 =	vmov s30;
	s30 =	sadd.s32 $0x1, s30  }
0xa2: {  	_ =	sdelay $0x3  }
0xa3: {  	v29 =	vmul.u32 $0x18, v26;
	[tilespmem:v28+s26+$0x0] =	vst.idx.msk $0xffff, v27  }
0xa4: {  	v25 =	vadd.s32 v24, v25;
	v27 =	vld [tilespmem:s29+$0x10]  }
0xa5: {  	v62 =	vadd.s32 v0, v29;
	_ =	sdelay $0x2  }
0xa6: {  	v26 =	vmul.u32 $0x58, v26  }
0xa7: {  	[tilespmem:v25+s26+$0x0] =	vst.idx.msk $0xffff, v27  }
0xa8: {  	v27 =	vadd.s32 v0, v26;
	v25 =	vld.idx.msk [tilespmem:v62+s20+$0x0], $0xffff  }
0xa9: {  	v63 =	vadd.s32 v20, v29;
	_ =	sdelay $0x3  }
0xaa: {  	[tilespmem:v27+s26+$0x0] =	vst.idx.msk $0xffff, v25  }
0xab: {  	v27 =	vadd.s32 v20, v26;
	v25 =	vld.idx.msk [tilespmem:v63+s20+$0x0], $0xffff;
	_ =	sdelay $0x4  }
0xac: {  	s31 =	sadd.s32 $0x40, s29;
	[tilespmem:v27+s26+$0x0] =	vst.idx.msk $0xffff, v25  }
0xad: {  	v27 =	vadd.s32 v21, v26;
	v25 =	vld [tilespmem:s31+$0xFFFFFFE0];
	_ =	sdelay $0x4  }
0xae: {  	[tilespmem:v27+s26+$0x0] =	vst.idx.msk $0xffff, v25  }
0xaf: {  	v27 =	vadd.s32 v22, v26;
	v25 =	vld [tilespmem:s31+$0xFFFFFFF0];
	_ =	sdelay $0x4  }
0xb0: {  	[tilespmem:v27+s26+$0x0] =	vst.idx.msk $0xffff, v25  }
0xb1: {  	v27 =	vadd.s32 v23, v26;
	v25 =	vld [tilespmem:s31+$0x0];
	_ =	sdelay $0x4  }
0xb2: {  	[tilespmem:v27+s26+$0x0] =	vst.idx.msk $0xffff, v25  }
0xb3: {  	v26 =	vadd.s32 v24, v26;
	v25 =	vld [tilespmem:s31+$0x10];
	_ =	sdelay $0x4  }
0xb4: {  	[tilespmem:v26+s26+$0x0] =	vst.idx.msk $0xffff, v25  }
0xb5: {  	s28 =	sadd.s32 $0x1, s28;
	_ =	swait.ge [sflag:s23], $0x2000  }
0xb6: {  	p0 =	sne.s32 s28, s12;
	[sflag:s23] =	ssyncset.done $0x0  }
.Ltmp2:
0xb7: {  	[sflag:s23] =	ssyncadd.s32 $0xFFFFE000;
	(pc) =	sbr.rel @p0 .LBB2_1-.Ltmp2, $4  }
0xb8: {  	[hbm4b:s11+s2] =	stream.linear.scatter [tilespmem:s26], [sflag:$0x3], $0x2C00, $0x38;
	[tilespmem:$0xA180] =	vst v63  }
0xb9: {  	_ =	swait.ge [sflag:s13], $0x2C00  }
0xba: {  	[sflag:s13] =	ssyncset.done $0x0  }
0xbb: {  	[sflag:s13] =	ssyncadd.s32 $0xFFFFD400  }
0xbc: {  	_ =	sfence.sel $0x180000  }
0xbd: {  	[bflag:$0x0] =	sbarrier.arrive $0xFFFF  }
0xbe: {  	p0 =	sne.s32 s1, $0x0;
	_ =	strace $0x90000047  }
0xbf: {  	s0 =	sadd.s32 @!p0 $0x100000, s0;
	[bflag:$0x2] =	sbarrier.arrive $0xFFFF  }
0xc0: {  	[sflag:s0] =	ssyncadd.tile.s32 @!p0 $0x1;
	_ =	shalt  }
.Lfunc_end2:
_tile_overlayer_lowered:
.L_overlay_start_2:
0xc1: {  	(tag) =	ssettag $0x2  }
0xc2: {  	s0 =	rddreg [dreg:$0x0];
	s2 =	stileid.u32  }
0xc3: {  	s1 =	rddreg [dreg:$0x1];
	p0 =	sne.s32 s2, $0x0  }
0xc4: {  	s3 =	rddreg [dreg:$0x2];
	[bflag:$0x3] =	sbarrier.arrive $0xFFFF;
	s2 =	simm.s32 @!p0 $0x1C03  }
0xc5: {  	[timem:s3], [sflag:s2] =	dma.local @!p0 [hbm:s0], s1  }
0xc6: {  	s0 =	simm.s32 @!p0 $0x3  }
0xc7: {  	_ =	swait.ge @!p0 [sflag:s0], s1  }
0xc8: {  	s1 =	ssub.s32 @!p0 $0x0, s1;
	[sflag:s0] =	ssyncset.done @!p0 $0x0  }
0xc9: {  	[sflag:s0] =	ssyncadd.s32 @!p0 s1  }
0xca: {  	[bflag:$0x3] =	sbarrier.arrive $0xFFFF  }
0xcb: {  	_ =	shalt  }

</sc_bundles>
